<compile_context>
chip_gen: v7x
topology: tpu7x:2x2x1
jax: 0.10.2.dev20260603
libtpu: 0.0.44.dev20260713+nightly
codegen_flags: <defaults>
</compile_context>

<pallas_src>
import functools

import jax
import jax.numpy as jnp
from jax import lax
from jax.experimental import pallas as pl
from jax.experimental.pallas import tpu as pltpu
from jax.experimental.pallas import tpu_sc as plsc

B, T, D, K = 16, 576, 64, 8192
N = B * T
NC, NS, L = 2, 16, 16
NW = NC * NS
BPW = N // NW
CHUNK = 96
NCHUNK = BPW // CHUNK
HALF = N // 2

_mesh = plsc.VectorSubcoreMesh(core_axis_name="c", subcore_axis_name="s")


@functools.partial(
    pl.kernel,
    mesh=_mesh,
    out_type=jax.ShapeDtypeStruct((HALF, 2 * D), jnp.float32),
    scratch_types=[
        pltpu.VMEM((BPW,), jnp.int32),
        pltpu.VMEM((BPW, D), jnp.float32),
        pltpu.SemaphoreType.DMA,
        pltpu.SemaphoreType.DMA,
    ],
    compiler_params=pltpu.CompilerParams(
        use_tc_tiling_on_sc=False, needs_layout_passes=False
    ),
)
def _sc_gather(idx_hbm, table_hbm, q2_hbm, idx_v, rows_v, gsem, wsem):
    wid = lax.axis_index("s") * NC + lax.axis_index("c")
    base = wid * BPW
    pltpu.sync_copy(idx_hbm.at[pl.ds(base, BPW)], idx_v)
    copies = [
        pltpu.async_copy(
            table_hbm.at[idx_v.at[pl.ds(c * CHUNK, CHUNK)]],
            rows_v.at[pl.ds(c * CHUNK, CHUNK)],
            gsem,
        )
        for c in range(NCHUNK)
    ]
    half = base // HALF
    row0 = base - half * HALF
    col0 = half * D

    wcps = []
    for c in range(NCHUNK):
        copies[c].wait()
        wcps.append(pltpu.async_copy(
            rows_v.at[pl.ds(c * CHUNK, CHUNK)],
            q2_hbm.at[pl.ds(row0 + c * CHUNK, CHUNK), pl.ds(col0, D)],
            wsem,
        ))
    for wcp in wcps:
        wcp.wait()


_HB = B // 2


_BPS = 4


def _tc_body(q2_ref, latT_ref, qT_ref, loss_ref):
    i = pl.program_id(0)
    for k in range(_BPS):
        q2t = jnp.transpose(q2_ref[pl.ds(k * T, T), :], (1, 0))
        qa, qb = q2t[:D, :], q2t[D:, :]
        da = qa - latT_ref[0, k]
        db = qb - latT_ref[1, k]
        qT_ref[0, k] = qa
        qT_ref[1, k] = qb
        loss_ref[0, i * _BPS + k] = jnp.sum(da * da, axis=0) * (1.25 / D)
        loss_ref[1, i * _BPS + k] = jnp.sum(db * db, axis=0) * (1.25 / D)


def _tc_loss_unpack(q2, latT4):
    return pl.pallas_call(
        _tc_body,
        grid=(_HB // _BPS,),
        in_specs=[
            pl.BlockSpec((_BPS * T, 2 * D), lambda i: (i, 0)),
            pl.BlockSpec((2, _BPS, D, T), lambda i: (0, i, 0, 0)),
        ],
        out_specs=[
            pl.BlockSpec((2, _BPS, D, T), lambda i: (0, i, 0, 0)),
            pl.BlockSpec((2, _HB, T), lambda i: (0, 0, 0)),
        ],
        out_shape=[
            jax.ShapeDtypeStruct((2, _HB, D, T), jnp.float32),
            jax.ShapeDtypeStruct((2, _HB, T), jnp.float32),
        ],
    )(q2, latT4)


def kernel(gold_encoding_inds, latents, epc, codebook):
    idx = gold_encoding_inds.reshape(N)
    latT4 = latents.transpose(0, 2, 1).reshape(2, _HB, D, T)
    q2 = _sc_gather(idx, codebook)
    qT4, loss4 = _tc_loss_unpack(q2, latT4)
    return (
        qT4.reshape(B, D, T).transpose(0, 2, 1),
        loss4.reshape(B, T),
        gold_encoding_inds.T,
    )

# --- scband reference (transcript-rebuilt; emitter-appended) ---
"""Pipeline reference for scband-vqvae-61383672594730 (READ-ONLY COPY).

The authoritative reference and input builder live on the scoring server;
editing this copy changes nothing except your own understanding.
"""

import jax, jax.numpy as jnp
import numpy as np

B, T, D, K = 16, 576, 64, 8192
BETA = 0.25


def setup_inputs(seed: int = 0) -> dict:
    key = jax.random.key(seed)
    k1, k2, k3 = jax.random.split(key, 3)
    latents = jax.random.normal(k1, (B, T, D), dtype=jnp.float32)
    gold_encoding_inds = jax.random.randint(k2, (B * T, 1), 0, K, dtype=jnp.int32)
    # embedding table initialized uniform(-1/K, 1/K) per VectorQuantizer.__init__
    codebook = jax.random.uniform(k3, (K, D), minval=-1.0 / K, maxval=1.0 / K, dtype=jnp.float32)
    epc = 0
    return {"gold_encoding_inds": gold_encoding_inds, "latents": latents, "epc": epc, "codebook": codebook}


def reference(gold_encoding_inds, latents, epc, codebook):
    latents_shape = latents.shape
    flat_latents = latents.reshape(-1, D)
    # distance to every codebook entry (computed unconditionally in the original forward)
    dist = (jnp.sum(flat_latents ** 2, axis=1, keepdims=True)
            + jnp.sum(codebook ** 2, axis=1)
            - 2.0 * flat_latents @ codebook.T)
    encoding_inds = jnp.argmin(dist, axis=1)[:, None]  # computed but unused in gold branch
    # gold branch: one-hot scatter of gold indices -> quantized latents
    encoding_one_hot = jax.nn.one_hot(gold_encoding_inds[:, 0], K, dtype=latents.dtype)
    gold_quantized = (encoding_one_hot @ codebook).reshape(latents_shape)
    commitment_loss = jnp.mean((jax.lax.stop_gradient(gold_quantized) - latents) ** 2, axis=-1)
    embedding_loss = jnp.mean((gold_quantized - jax.lax.stop_gradient(latents)) ** 2, axis=-1)
    vq_loss = embedding_loss + BETA * commitment_loss
    return gold_quantized, vq_loss, gold_encoding_inds.T

if __name__ == "__main__":
    import jax
    _d = setup_inputs()
    print(jax.jit(kernel)(*tuple(_d.values())))

</pallas_src>

<mosaic_0001>
#map = affine_map<(d0, d1) -> (0)>
#map1 = affine_map<(d0, d1) -> (0, 0)>
module attributes {stable_mosaic.version = 14 : i64} {
  func.func @_sc_gather(%arg0: i32, %arg1: i32, %arg2: memref<9216xi32, #tpu.memory_space<hbm>>, %arg3: memref<8192x64xf32, #tpu.memory_space<hbm>>, %arg4: memref<4608x128xf32, #tpu.memory_space<hbm>>, %arg5: memref<288xi32, #tpu.memory_space<vmem>>, %arg6: memref<288x64xf32, #tpu.memory_space<vmem>>, %arg7: memref<!tpu.dma_semaphore, #tpu.memory_space<semaphore_mem>>, %arg8: memref<!tpu.dma_semaphore, #tpu.memory_space<semaphore_mem>>) attributes {dimension_semantics = [#tpu.dimension_semantics<core_parallel>, #tpu.dimension_semantics<subcore_parallel>], iteration_bounds = array<i64: 2, 16>, scalar_prefetch = 0 : i64, scratch_operands = 4 : i64, tpu.core_type = #tpu.core_type<sc_vector_subcore>, window_params = [{transform_indices = #map}, {transform_indices = #map1}, {transform_indices = #map1}]} {
    %mul3A = arith.constant 2 : i32
    %mul3A_0 = arith.muli %arg1, %mul3A : i32
    %add3A = arith.addi %mul3A_0, %arg0 : i32
    %mul3A_1 = arith.constant 288 : i32
    %mul3A_2 = arith.muli %add3A, %mul3A_1 : i32
    "tpu.region"() ({
      %run_scoped3A = tpu.sem_alloc : memref<!tpu.dma_semaphore, #tpu.memory_space<semaphore_mem>>
      %dma_start3A_124 = tpu.memref_slice %arg2[%mul3A_2] : memref<9216xi32, #tpu.memory_space<hbm>> -> memref<288xi32, #tpu.memory_space<hbm>>
      %dma_start3A_125 = tpu.memref_slice %arg2[%mul3A_2] : memref<9216xi32, #tpu.memory_space<hbm>> -> memref<288xi32, #tpu.memory_space<hbm>>
      tpu.enqueue_dma source(%dma_start3A_125 : memref<288xi32, #tpu.memory_space<hbm>>) target(%arg5 : memref<288xi32, #tpu.memory_space<vmem>>) target_semaphore(%run_scoped3A : memref<!tpu.dma_semaphore, #tpu.memory_space<semaphore_mem>>)
      %dma_wait3A_126 = tpu.memref_slice %arg2[%mul3A_2] : memref<9216xi32, #tpu.memory_space<hbm>> -> memref<288xi32, #tpu.memory_space<hbm>>
      %dma_wait3A_127 = tpu.memref_slice %arg2[%mul3A_2] : memref<9216xi32, #tpu.memory_space<hbm>> -> memref<288xi32, #tpu.memory_space<hbm>>
      tpu.wait_dma2 semaphore(%run_scoped3A : memref<!tpu.dma_semaphore, #tpu.memory_space<semaphore_mem>>) src(%dma_wait3A_127 : memref<288xi32, #tpu.memory_space<hbm>>) dst(%arg5 : memref<288xi32, #tpu.memory_space<vmem>>)
      tpu.yield
    }) : () -> ()
    %dma_start3A = arith.constant 0 : i32
    %dma_start3A_3 = arith.constant 0 : i32
    %dma_start3A_4 = tpu.memref_slice %arg6[%dma_start3A, %dma_start3A_3] : memref<288x64xf32, #tpu.memory_space<vmem>> -> memref<96x64xf32, #tpu.memory_space<vmem>>
    %dma_start3A_5 = arith.constant 0 : i32
    %dma_start3A_6 = tpu.memref_slice %arg5[%dma_start3A_5] : memref<288xi32, #tpu.memory_space<vmem>> -> memref<96xi32, #tpu.memory_space<vmem>>
    %dma_start3A_7 = arith.constant 0 : i32
    %dma_start3A_8 = arith.constant 0 : i32
    %dma_start3A_9 = tpu.memref_slice %arg3[%dma_start3A_7, %dma_start3A_8] : memref<8192x64xf32, #tpu.memory_space<hbm>> -> memref<8192x64xf32, #tpu.memory_space<hbm>>
    tpu.enqueue_indirect_dma source(%dma_start3A_9 : memref<8192x64xf32, #tpu.memory_space<hbm>>) target(%dma_start3A_4 : memref<96x64xf32, #tpu.memory_space<vmem>>) offsets(%dma_start3A_6 : memref<96xi32, #tpu.memory_space<vmem>>) semaphore(%arg7 : memref<!tpu.dma_semaphore, #tpu.memory_space<semaphore_mem>>)
    %dma_start3A_10 = arith.constant 96 : i32
    %dma_start3A_11 = arith.constant 0 : i32
    %dma_start3A_12 = tpu.memref_slice %arg6[%dma_start3A_10, %dma_start3A_11] : memref<288x64xf32, #tpu.memory_space<vmem>> -> memref<96x64xf32, #tpu.memory_space<vmem>>
    %dma_start3A_13 = arith.constant 96 : i32
    %dma_start3A_14 = tpu.memref_slice %arg5[%dma_start3A_13] : memref<288xi32, #tpu.memory_space<vmem>> -> memref<96xi32, #tpu.memory_space<vmem>>
    %dma_start3A_15 = arith.constant 0 : i32
    %dma_start3A_16 = arith.constant 0 : i32
    %dma_start3A_17 = tpu.memref_slice %arg3[%dma_start3A_15, %dma_start3A_16] : memref<8192x64xf32, #tpu.memory_space<hbm>> -> memref<8192x64xf32, #tpu.memory_space<hbm>>
    tpu.enqueue_indirect_dma source(%dma_start3A_17 : memref<8192x64xf32, #tpu.memory_space<hbm>>) target(%dma_start3A_12 : memref<96x64xf32, #tpu.memory_space<vmem>>) offsets(%dma_start3A_14 : memref<96xi32, #tpu.memory_space<vmem>>) semaphore(%arg7 : memref<!tpu.dma_semaphore, #tpu.memory_space<semaphore_mem>>)
    %dma_start3A_18 = arith.constant 192 : i32
    %dma_start3A_19 = arith.constant 0 : i32
    %dma_start3A_20 = tpu.memref_slice %arg6[%dma_start3A_18, %dma_start3A_19] : memref<288x64xf32, #tpu.memory_space<vmem>> -> memref<96x64xf32, #tpu.memory_space<vmem>>
    %dma_start3A_21 = arith.constant 192 : i32
    %dma_start3A_22 = tpu.memref_slice %arg5[%dma_start3A_21] : memref<288xi32, #tpu.memory_space<vmem>> -> memref<96xi32, #tpu.memory_space<vmem>>
    %dma_start3A_23 = arith.constant 0 : i32
    %dma_start3A_24 = arith.constant 0 : i32
    %dma_start3A_25 = tpu.memref_slice %arg3[%dma_start3A_23, %dma_start3A_24] : memref<8192x64xf32, #tpu.memory_space<hbm>> -> memref<8192x64xf32, #tpu.memory_space<hbm>>
    tpu.enqueue_indirect_dma source(%dma_start3A_25 : memref<8192x64xf32, #tpu.memory_space<hbm>>) target(%dma_start3A_20 : memref<96x64xf32, #tpu.memory_space<vmem>>) offsets(%dma_start3A_22 : memref<96xi32, #tpu.memory_space<vmem>>) semaphore(%arg7 : memref<!tpu.dma_semaphore, #tpu.memory_space<semaphore_mem>>)
    %jit3A = arith.constant 4608 : i32
    %div3A = arith.divsi %mul3A_2, %jit3A : i32
    %sign3A = arith.constant 0 : i32
    %sign3A_26 = arith.cmpi sgt, %mul3A_2, %sign3A : i32
    %sign3A_27 = arith.extui %sign3A_26 : i1 to i32
    %sign3A_28 = arith.constant 0 : i32
    %sign3A_29 = arith.cmpi slt, %mul3A_2, %sign3A_28 : i32
    %sign3A_30 = arith.extui %sign3A_29 : i1 to i32
    %sign3A_31 = arith.subi %sign3A_27, %sign3A_30 : i32
    %sign3A_32 = arith.constant 0 : i32
    %sign3A_33 = arith.cmpi sgt, %jit3A, %sign3A_32 : i32
    %sign3A_34 = arith.extui %sign3A_33 : i1 to i32
    %sign3A_35 = arith.constant 0 : i32
    %sign3A_36 = arith.cmpi slt, %jit3A, %sign3A_35 : i32
    %sign3A_37 = arith.extui %sign3A_36 : i1 to i32
    %sign3A_38 = arith.subi %sign3A_34, %sign3A_37 : i32
    %ne3A = arith.cmpi ne, %sign3A_31, %sign3A_38 : i32
    %rem3A = arith.remsi %mul3A_2, %jit3A : i32
    %ne3A_39 = arith.constant 0 : i32
    %ne3A_40 = arith.cmpi ne, %rem3A, %ne3A_39 : i32
    %and3A = arith.andi %ne3A, %ne3A_40 : i1
    %sub3A = arith.constant 1 : i32
    %sub3A_41 = arith.subi %div3A, %sub3A : i32
    %select_n3A = arith.select %and3A, %sub3A_41, %div3A : i32
    %mul3A_42 = arith.constant 4608 : i32
    %mul3A_43 = arith.muli %select_n3A, %mul3A_42 : i32
    %sub3A_44 = arith.subi %mul3A_2, %mul3A_43 : i32
    %mul3A_45 = arith.constant 64 : i32
    %mul3A_46 = arith.muli %select_n3A, %mul3A_45 : i32
    %dma_wait3A = arith.constant 0 : i32
    %dma_wait3A_47 = arith.constant 0 : i32
    %dma_wait3A_48 = tpu.memref_slice %arg6[%dma_wait3A, %dma_wait3A_47] : memref<288x64xf32, #tpu.memory_space<vmem>> -> memref<96x64xf32, #tpu.memory_space<vmem>>
    %dma_wait3A_49 = arith.constant 0 : i32
    %dma_wait3A_50 = tpu.memref_slice %arg5[%dma_wait3A_49] : memref<288xi32, #tpu.memory_space<vmem>> -> memref<96xi32, #tpu.memory_space<vmem>>
    %dma_wait3A_51 = arith.constant 0 : i32
    %dma_wait3A_52 = arith.constant 0 : i32
    %dma_wait3A_53 = tpu.memref_slice %arg3[%dma_wait3A_51, %dma_wait3A_52] : memref<8192x64xf32, #tpu.memory_space<hbm>> -> memref<8192x64xf32, #tpu.memory_space<hbm>>
    tpu.wait_indirect_dma semaphore(%arg7 : memref<!tpu.dma_semaphore, #tpu.memory_space<semaphore_mem>>) src(%dma_wait3A_53 : memref<8192x64xf32, #tpu.memory_space<hbm>>) dst(%dma_wait3A_48 : memref<96x64xf32, #tpu.memory_space<vmem>>)
    %add3A_54 = arith.constant 0 : i32
    %add3A_55 = arith.addi %sub3A_44, %add3A_54 : i32
    %dma_start3A_56 = arith.constant 0 : i32
    %dma_start3A_57 = arith.constant 0 : i32
    %dma_start3A_58 = tpu.memref_slice %arg6[%dma_start3A_56, %dma_start3A_57] : memref<288x64xf32, #tpu.memory_space<vmem>> -> memref<96x64xf32, #tpu.memory_space<vmem>>
    %dma_start3A_59 = tpu.memref_slice %arg4[%add3A_55, %mul3A_46] : memref<4608x128xf32, #tpu.memory_space<hbm>> -> memref<96x64xf32, #tpu.memory_space<hbm>>
    %dma_start3A_60 = tpu.memref_slice %arg4[%add3A_55, %mul3A_46] : memref<4608x128xf32, #tpu.memory_space<hbm>> -> memref<96x64xf32, #tpu.memory_space<hbm>>
    %dma_start3A_61 = arith.constant 0 : i32
    %dma_start3A_62 = arith.constant 0 : i32
    %dma_start3A_63 = tpu.memref_slice %arg6[%dma_start3A_61, %dma_start3A_62] : memref<288x64xf32, #tpu.memory_space<vmem>> -> memref<96x64xf32, #tpu.memory_space<vmem>>
    tpu.enqueue_dma source(%dma_start3A_63 : memref<96x64xf32, #tpu.memory_space<vmem>>) target(%dma_start3A_60 : memref<96x64xf32, #tpu.memory_space<hbm>>) target_semaphore(%arg8 : memref<!tpu.dma_semaphore, #tpu.memory_space<semaphore_mem>>)
    %dma_wait3A_64 = arith.constant 96 : i32
    %dma_wait3A_65 = arith.constant 0 : i32
    %dma_wait3A_66 = tpu.memref_slice %arg6[%dma_wait3A_64, %dma_wait3A_65] : memref<288x64xf32, #tpu.memory_space<vmem>> -> memref<96x64xf32, #tpu.memory_space<vmem>>
    %dma_wait3A_67 = arith.constant 96 : i32
    %dma_wait3A_68 = tpu.memref_slice %arg5[%dma_wait3A_67] : memref<288xi32, #tpu.memory_space<vmem>> -> memref<96xi32, #tpu.memory_space<vmem>>
    %dma_wait3A_69 = arith.constant 0 : i32
    %dma_wait3A_70 = arith.constant 0 : i32
    %dma_wait3A_71 = tpu.memref_slice %arg3[%dma_wait3A_69, %dma_wait3A_70] : memref<8192x64xf32, #tpu.memory_space<hbm>> -> memref<8192x64xf32, #tpu.memory_space<hbm>>
    tpu.wait_indirect_dma semaphore(%arg7 : memref<!tpu.dma_semaphore, #tpu.memory_space<semaphore_mem>>) src(%dma_wait3A_71 : memref<8192x64xf32, #tpu.memory_space<hbm>>) dst(%dma_wait3A_66 : memref<96x64xf32, #tpu.memory_space<vmem>>)
    %add3A_72 = arith.constant 96 : i32
    %add3A_73 = arith.addi %sub3A_44, %add3A_72 : i32
    %dma_start3A_74 = arith.constant 96 : i32
    %dma_start3A_75 = arith.constant 0 : i32
    %dma_start3A_76 = tpu.memref_slice %arg6[%dma_start3A_74, %dma_start3A_75] : memref<288x64xf32, #tpu.memory_space<vmem>> -> memref<96x64xf32, #tpu.memory_space<vmem>>
    %dma_start3A_77 = tpu.memref_slice %arg4[%add3A_73, %mul3A_46] : memref<4608x128xf32, #tpu.memory_space<hbm>> -> memref<96x64xf32, #tpu.memory_space<hbm>>
    %dma_start3A_78 = tpu.memref_slice %arg4[%add3A_73, %mul3A_46] : memref<4608x128xf32, #tpu.memory_space<hbm>> -> memref<96x64xf32, #tpu.memory_space<hbm>>
    %dma_start3A_79 = arith.constant 96 : i32
    %dma_start3A_80 = arith.constant 0 : i32
    %dma_start3A_81 = tpu.memref_slice %arg6[%dma_start3A_79, %dma_start3A_80] : memref<288x64xf32, #tpu.memory_space<vmem>> -> memref<96x64xf32, #tpu.memory_space<vmem>>
    tpu.enqueue_dma source(%dma_start3A_81 : memref<96x64xf32, #tpu.memory_space<vmem>>) target(%dma_start3A_78 : memref<96x64xf32, #tpu.memory_space<hbm>>) target_semaphore(%arg8 : memref<!tpu.dma_semaphore, #tpu.memory_space<semaphore_mem>>)
    %dma_wait3A_82 = arith.constant 192 : i32
    %dma_wait3A_83 = arith.constant 0 : i32
    %dma_wait3A_84 = tpu.memref_slice %arg6[%dma_wait3A_82, %dma_wait3A_83] : memref<288x64xf32, #tpu.memory_space<vmem>> -> memref<96x64xf32, #tpu.memory_space<vmem>>
    %dma_wait3A_85 = arith.constant 192 : i32
    %dma_wait3A_86 = tpu.memref_slice %arg5[%dma_wait3A_85] : memref<288xi32, #tpu.memory_space<vmem>> -> memref<96xi32, #tpu.memory_space<vmem>>
    %dma_wait3A_87 = arith.constant 0 : i32
    %dma_wait3A_88 = arith.constant 0 : i32
    %dma_wait3A_89 = tpu.memref_slice %arg3[%dma_wait3A_87, %dma_wait3A_88] : memref<8192x64xf32, #tpu.memory_space<hbm>> -> memref<8192x64xf32, #tpu.memory_space<hbm>>
    tpu.wait_indirect_dma semaphore(%arg7 : memref<!tpu.dma_semaphore, #tpu.memory_space<semaphore_mem>>) src(%dma_wait3A_89 : memref<8192x64xf32, #tpu.memory_space<hbm>>) dst(%dma_wait3A_84 : memref<96x64xf32, #tpu.memory_space<vmem>>)
    %add3A_90 = arith.constant 192 : i32
    %add3A_91 = arith.addi %sub3A_44, %add3A_90 : i32
    %dma_start3A_92 = arith.constant 192 : i32
    %dma_start3A_93 = arith.constant 0 : i32
    %dma_start3A_94 = tpu.memref_slice %arg6[%dma_start3A_92, %dma_start3A_93] : memref<288x64xf32, #tpu.memory_space<vmem>> -> memref<96x64xf32, #tpu.memory_space<vmem>>
    %dma_start3A_95 = tpu.memref_slice %arg4[%add3A_91, %mul3A_46] : memref<4608x128xf32, #tpu.memory_space<hbm>> -> memref<96x64xf32, #tpu.memory_space<hbm>>
    %dma_start3A_96 = tpu.memref_slice %arg4[%add3A_91, %mul3A_46] : memref<4608x128xf32, #tpu.memory_space<hbm>> -> memref<96x64xf32, #tpu.memory_space<hbm>>
    %dma_start3A_97 = arith.constant 192 : i32
    %dma_start3A_98 = arith.constant 0 : i32
    %dma_start3A_99 = tpu.memref_slice %arg6[%dma_start3A_97, %dma_start3A_98] : memref<288x64xf32, #tpu.memory_space<vmem>> -> memref<96x64xf32, #tpu.memory_space<vmem>>
    tpu.enqueue_dma source(%dma_start3A_99 : memref<96x64xf32, #tpu.memory_space<vmem>>) target(%dma_start3A_96 : memref<96x64xf32, #tpu.memory_space<hbm>>) target_semaphore(%arg8 : memref<!tpu.dma_semaphore, #tpu.memory_space<semaphore_mem>>)
    %dma_wait3A_100 = arith.constant 0 : i32
    %dma_wait3A_101 = arith.constant 0 : i32
    %dma_wait3A_102 = tpu.memref_slice %arg6[%dma_wait3A_100, %dma_wait3A_101] : memref<288x64xf32, #tpu.memory_space<vmem>> -> memref<96x64xf32, #tpu.memory_space<vmem>>
    %dma_wait3A_103 = tpu.memref_slice %arg4[%add3A_55, %mul3A_46] : memref<4608x128xf32, #tpu.memory_space<hbm>> -> memref<96x64xf32, #tpu.memory_space<hbm>>
    %dma_wait3A_104 = tpu.memref_slice %arg4[%add3A_55, %mul3A_46] : memref<4608x128xf32, #tpu.memory_space<hbm>> -> memref<96x64xf32, #tpu.memory_space<hbm>>
    %dma_wait3A_105 = arith.constant 0 : i32
    %dma_wait3A_106 = arith.constant 0 : i32
    %dma_wait3A_107 = tpu.memref_slice %arg6[%dma_wait3A_105, %dma_wait3A_106] : memref<288x64xf32, #tpu.memory_space<vmem>> -> memref<96x64xf32, #tpu.memory_space<vmem>>
    tpu.wait_dma2 semaphore(%arg8 : memref<!tpu.dma_semaphore, #tpu.memory_space<semaphore_mem>>) src(%dma_wait3A_107 : memref<96x64xf32, #tpu.memory_space<vmem>>) dst(%dma_wait3A_104 : memref<96x64xf32, #tpu.memory_space<hbm>>)
    %dma_wait3A_108 = arith.constant 96 : i32
    %dma_wait3A_109 = arith.constant 0 : i32
    %dma_wait3A_110 = tpu.memref_slice %arg6[%dma_wait3A_108, %dma_wait3A_109] : memref<288x64xf32, #tpu.memory_space<vmem>> -> memref<96x64xf32, #tpu.memory_space<vmem>>
    %dma_wait3A_111 = tpu.memref_slice %arg4[%add3A_73, %mul3A_46] : memref<4608x128xf32, #tpu.memory_space<hbm>> -> memref<96x64xf32, #tpu.memory_space<hbm>>
    %dma_wait3A_112 = tpu.memref_slice %arg4[%add3A_73, %mul3A_46] : memref<4608x128xf32, #tpu.memory_space<hbm>> -> memref<96x64xf32, #tpu.memory_space<hbm>>
    %dma_wait3A_113 = arith.constant 96 : i32
    %dma_wait3A_114 = arith.constant 0 : i32
    %dma_wait3A_115 = tpu.memref_slice %arg6[%dma_wait3A_113, %dma_wait3A_114] : memref<288x64xf32, #tpu.memory_space<vmem>> -> memref<96x64xf32, #tpu.memory_space<vmem>>
    tpu.wait_dma2 semaphore(%arg8 : memref<!tpu.dma_semaphore, #tpu.memory_space<semaphore_mem>>) src(%dma_wait3A_115 : memref<96x64xf32, #tpu.memory_space<vmem>>) dst(%dma_wait3A_112 : memref<96x64xf32, #tpu.memory_space<hbm>>)
    %dma_wait3A_116 = arith.constant 192 : i32
    %dma_wait3A_117 = arith.constant 0 : i32
    %dma_wait3A_118 = tpu.memref_slice %arg6[%dma_wait3A_116, %dma_wait3A_117] : memref<288x64xf32, #tpu.memory_space<vmem>> -> memref<96x64xf32, #tpu.memory_space<vmem>>
    %dma_wait3A_119 = tpu.memref_slice %arg4[%add3A_91, %mul3A_46] : memref<4608x128xf32, #tpu.memory_space<hbm>> -> memref<96x64xf32, #tpu.memory_space<hbm>>
    %dma_wait3A_120 = tpu.memref_slice %arg4[%add3A_91, %mul3A_46] : memref<4608x128xf32, #tpu.memory_space<hbm>> -> memref<96x64xf32, #tpu.memory_space<hbm>>
    %dma_wait3A_121 = arith.constant 192 : i32
    %dma_wait3A_122 = arith.constant 0 : i32
    %dma_wait3A_123 = tpu.memref_slice %arg6[%dma_wait3A_121, %dma_wait3A_122] : memref<288x64xf32, #tpu.memory_space<vmem>> -> memref<96x64xf32, #tpu.memory_space<vmem>>
    tpu.wait_dma2 semaphore(%arg8 : memref<!tpu.dma_semaphore, #tpu.memory_space<semaphore_mem>>) src(%dma_wait3A_123 : memref<96x64xf32, #tpu.memory_space<vmem>>) dst(%dma_wait3A_120 : memref<96x64xf32, #tpu.memory_space<hbm>>)
    return
  }
}

module attributes {stable_mosaic.version = 14 : i64} {
  func.func @_tc_body(%arg0: i32, %arg1: memref<2304x128xf32, #tpu.memory_space<vmem>>, %arg2: memref<2x4x64x576xf32, #tpu.memory_space<vmem>>, %arg3: memref<2x4x64x576xf32, #tpu.memory_space<vmem>>, %arg4: memref<2x8x576xf32, #tpu.memory_space<vmem>>) attributes {dimension_semantics = [#tpu.dimension_semantics<arbitrary>], iteration_bounds = array<i64: 2>, scalar_prefetch = 0 : i64, scratch_operands = 0 : i64, tpu.core_type = #tpu.core_type<tc>, window_params = [{transform_indices = @transform_0, window_bounds = array<i64: 2304, 128>}, {transform_indices = @transform_1, window_bounds = array<i64: 2, 4, 64, 576>}, {transform_indices = @transform_2, window_bounds = array<i64: 2, 4, 64, 576>}, {pipeline_mode = #tpu.pipeline_mode<synchronous>, transform_indices = @transform_3, window_bounds = array<i64: 2, 8, 576>}]} {
    %get3A = arith.constant 0 : index
    %get3A_0 = arith.constant 0 : index
    %get3A_1 = vector.load %arg1[%get3A, %get3A_0] : memref<2304x128xf32, #tpu.memory_space<vmem>>, vector<576x128xf32>
    %transpose3A = tpu.transpose %get3A_1, [1, 0] : vector<576x128xf32> -> vector<128x576xf32>
    %slice3A = vector.extract_strided_slice %transpose3A {offsets = [0, 0], sizes = [64, 576], strides = [1, 1]} : vector<128x576xf32> to vector<64x576xf32>
    %slice3A_2 = vector.extract_strided_slice %transpose3A {offsets = [64, 0], sizes = [64, 576], strides = [1, 1]} : vector<128x576xf32> to vector<64x576xf32>
    %get3A_3 = arith.constant 0 : index
    %get3A_4 = arith.constant 0 : index
    %get3A_5 = arith.constant 0 : index
    %get3A_6 = arith.constant 0 : index
    %get3A_7 = vector.load %arg2[%get3A_3, %get3A_4, %get3A_5, %get3A_6] : memref<2x4x64x576xf32, #tpu.memory_space<vmem>>, vector<1x1x64x576xf32>
    %get3A_8 = vector.shape_cast %get3A_7 : vector<1x1x64x576xf32> to vector<64x576xf32>
    %sub3A = arith.subf %slice3A, %get3A_8 : vector<64x576xf32>
    %get3A_9 = arith.constant 1 : index
    %get3A_10 = arith.constant 0 : index
    %get3A_11 = arith.constant 0 : index
    %get3A_12 = arith.constant 0 : index
    %get3A_13 = vector.load %arg2[%get3A_9, %get3A_10, %get3A_11, %get3A_12] : memref<2x4x64x576xf32, #tpu.memory_space<vmem>>, vector<1x1x64x576xf32>
    %get3A_14 = vector.shape_cast %get3A_13 : vector<1x1x64x576xf32> to vector<64x576xf32>
    %sub3A_15 = arith.subf %slice3A_2, %get3A_14 : vector<64x576xf32>
    %swap3A = arith.constant 0 : index
    %swap3A_16 = arith.constant 0 : index
    %swap3A_17 = arith.constant 0 : index
    %swap3A_18 = arith.constant 0 : index
    %swap3A_19 = vector.load %arg3[%swap3A, %swap3A_16, %swap3A_17, %swap3A_18] : memref<2x4x64x576xf32, #tpu.memory_space<vmem>>, vector<1x1x64x576xf32>
    %swap3A_20 = vector.shape_cast %swap3A_19 : vector<1x1x64x576xf32> to vector<64x576xf32>
    %swap3A_21 = vector.shape_cast %slice3A : vector<64x576xf32> to vector<1x1x64x576xf32>
    tpu.vector_store %arg3[%swap3A, %swap3A_16, %swap3A_17, %swap3A_18], %swap3A_21 {strides = array<i32>} : memref<2x4x64x576xf32, #tpu.memory_space<vmem>>, vector<1x1x64x576xf32>,
    %swap3A_22 = arith.constant 1 : index
    %swap3A_23 = arith.constant 0 : index
    %swap3A_24 = arith.constant 0 : index
    %swap3A_25 = arith.constant 0 : index
    %swap3A_26 = vector.load %arg3[%swap3A_22, %swap3A_23, %swap3A_24, %swap3A_25] : memref<2x4x64x576xf32, #tpu.memory_space<vmem>>, vector<1x1x64x576xf32>
    %swap3A_27 = vector.shape_cast %swap3A_26 : vector<1x1x64x576xf32> to vector<64x576xf32>
    %swap3A_28 = vector.shape_cast %slice3A_2 : vector<64x576xf32> to vector<1x1x64x576xf32>
    tpu.vector_store %arg3[%swap3A_22, %swap3A_23, %swap3A_24, %swap3A_25], %swap3A_28 {strides = array<i32>} : memref<2x4x64x576xf32, #tpu.memory_space<vmem>>, vector<1x1x64x576xf32>,
    %mul3A = arith.mulf %sub3A, %sub3A : vector<64x576xf32>
    %reduce_sum3A = arith.constant dense<0.000000e+00> : vector<576xf32>
    %reduce_sum3A_29 = vector.multi_reduction <add>, %mul3A, %reduce_sum3A [0] : vector<64x576xf32> to vector<576xf32>
    %mul3A_30 = arith.constant 0.01953125 : f32
    %mul3A_31 = vector.broadcast %mul3A_30 : f32 to vector<576xf32>
    %mul3A_32 = arith.mulf %reduce_sum3A_29, %mul3A_31 : vector<576xf32>
    %mul3A_33 = arith.constant 4 : i32
    %mul3A_34 = arith.muli %arg0, %mul3A_33 : i32
    %add3A = arith.constant 0 : i32
    %add3A_35 = arith.addi %mul3A_34, %add3A : i32
    %swap3A_36 = arith.constant 0 : index
    %swap3A_37 = arith.index_cast %add3A_35 : i32 to index
    %swap3A_38 = arith.constant 0 : index
    %swap3A_39 = vector.load %arg4[%swap3A_36, %swap3A_37, %swap3A_38] : memref<2x8x576xf32, #tpu.memory_space<vmem>>, vector<1x1x576xf32>
    %swap3A_40 = vector.shape_cast %swap3A_39 : vector<1x1x576xf32> to vector<576xf32>
    %swap3A_41 = vector.shape_cast %mul3A_32 : vector<576xf32> to vector<1x1x576xf32>
    tpu.vector_store %arg4[%swap3A_36, %swap3A_37, %swap3A_38], %swap3A_41 {strides = array<i32>} : memref<2x8x576xf32, #tpu.memory_space<vmem>>, vector<1x1x576xf32>,
    %mul3A_42 = arith.mulf %sub3A_15, %sub3A_15 : vector<64x576xf32>
    %reduce_sum3A_43 = arith.constant dense<0.000000e+00> : vector<576xf32>
    %reduce_sum3A_44 = vector.multi_reduction <add>, %mul3A_42, %reduce_sum3A_43 [0] : vector<64x576xf32> to vector<576xf32>
    %mul3A_45 = arith.constant 0.01953125 : f32
    %mul3A_46 = vector.broadcast %mul3A_45 : f32 to vector<576xf32>
    %mul3A_47 = arith.mulf %reduce_sum3A_44, %mul3A_46 : vector<576xf32>
    %mul3A_48 = arith.constant 4 : i32
    %mul3A_49 = arith.muli %arg0, %mul3A_48 : i32
    %add3A_50 = arith.constant 0 : i32
    %add3A_51 = arith.addi %mul3A_49, %add3A_50 : i32
    %swap3A_52 = arith.constant 1 : index
    %swap3A_53 = arith.index_cast %add3A_51 : i32 to index
    %swap3A_54 = arith.constant 0 : index
    %swap3A_55 = vector.load %arg4[%swap3A_52, %swap3A_53, %swap3A_54] : memref<2x8x576xf32, #tpu.memory_space<vmem>>, vector<1x1x576xf32>
    %swap3A_56 = vector.shape_cast %swap3A_55 : vector<1x1x576xf32> to vector<576xf32>
    %swap3A_57 = vector.shape_cast %mul3A_47 : vector<576xf32> to vector<1x1x576xf32>
    tpu.vector_store %arg4[%swap3A_52, %swap3A_53, %swap3A_54], %swap3A_57 {strides = array<i32>} : memref<2x8x576xf32, #tpu.memory_space<vmem>>, vector<1x1x576xf32>,
    %get3A_58 = arith.constant 576 : index
    %get3A_59 = arith.constant 0 : index
    %get3A_60 = vector.load %arg1[%get3A_58, %get3A_59] : memref<2304x128xf32, #tpu.memory_space<vmem>>, vector<576x128xf32>
    %transpose3A_61 = tpu.transpose %get3A_60, [1, 0] : vector<576x128xf32> -> vector<128x576xf32>
    %slice3A_62 = vector.extract_strided_slice %transpose3A_61 {offsets = [0, 0], sizes = [64, 576], strides = [1, 1]} : vector<128x576xf32> to vector<64x576xf32>
    %slice3A_63 = vector.extract_strided_slice %transpose3A_61 {offsets = [64, 0], sizes = [64, 576], strides = [1, 1]} : vector<128x576xf32> to vector<64x576xf32>
    %get3A_64 = arith.constant 0 : index
    %get3A_65 = arith.constant 1 : index
    %get3A_66 = arith.constant 0 : index
    %get3A_67 = arith.constant 0 : index
    %get3A_68 = vector.load %arg2[%get3A_64, %get3A_65, %get3A_66, %get3A_67] : memref<2x4x64x576xf32, #tpu.memory_space<vmem>>, vector<1x1x64x576xf32>
    %get3A_69 = vector.shape_cast %get3A_68 : vector<1x1x64x576xf32> to vector<64x576xf32>
    %sub3A_70 = arith.subf %slice3A_62, %get3A_69 : vector<64x576xf32>
    %get3A_71 = arith.constant 1 : index
    %get3A_72 = arith.constant 1 : index
    %get3A_73 = arith.constant 0 : index
    %get3A_74 = arith.constant 0 : index
    %get3A_75 = vector.load %arg2[%get3A_71, %get3A_72, %get3A_73, %get3A_74] : memref<2x4x64x576xf32, #tpu.memory_space<vmem>>, vector<1x1x64x576xf32>
    %get3A_76 = vector.shape_cast %get3A_75 : vector<1x1x64x576xf32> to vector<64x576xf32>
    %sub3A_77 = arith.subf %slice3A_63, %get3A_76 : vector<64x576xf32>
    %swap3A_78 = arith.constant 0 : index
    %swap3A_79 = arith.constant 1 : index
    %swap3A_80 = arith.constant 0 : index
    %swap3A_81 = arith.constant 0 : index
    %swap3A_82 = vector.load %arg3[%swap3A_78, %swap3A_79, %swap3A_80, %swap3A_81] : memref<2x4x64x576xf32, #tpu.memory_space<vmem>>, vector<1x1x64x576xf32>
    %swap3A_83 = vector.shape_cast %swap3A_82 : vector<1x1x64x576xf32> to vector<64x576xf32>
    %swap3A_84 = vector.shape_cast %slice3A_62 : vector<64x576xf32> to vector<1x1x64x576xf32>
    tpu.vector_store %arg3[%swap3A_78, %swap3A_79, %swap3A_80, %swap3A_81], %swap3A_84 {strides = array<i32>} : memref<2x4x64x576xf32, #tpu.memory_space<vmem>>, vector<1x1x64x576xf32>,
    %swap3A_85 = arith.constant 1 : index
    %swap3A_86 = arith.constant 1 : index
    %swap3A_87 = arith.constant 0 : index
    %swap3A_88 = arith.constant 0 : index
    %swap3A_89 = vector.load %arg3[%swap3A_85, %swap3A_86, %swap3A_87, %swap3A_88] : memref<2x4x64x576xf32, #tpu.memory_space<vmem>>, vector<1x1x64x576xf32>
    %swap3A_90 = vector.shape_cast %swap3A_89 : vector<1x1x64x576xf32> to vector<64x576xf32>
    %swap3A_91 = vector.shape_cast %slice3A_63 : vector<64x576xf32> to vector<1x1x64x576xf32>
    tpu.vector_store %arg3[%swap3A_85, %swap3A_86, %swap3A_87, %swap3A_88], %swap3A_91 {strides = array<i32>} : memref<2x4x64x576xf32, #tpu.memory_space<vmem>>, vector<1x1x64x576xf32>,
    %mul3A_92 = arith.mulf %sub3A_70, %sub3A_70 : vector<64x576xf32>
    %reduce_sum3A_93 = arith.constant dense<0.000000e+00> : vector<576xf32>
    %reduce_sum3A_94 = vector.multi_reduction <add>, %mul3A_92, %reduce_sum3A_93 [0] : vector<64x576xf32> to vector<576xf32>
    %mul3A_95 = arith.constant 0.01953125 : f32
    %mul3A_96 = vector.broadcast %mul3A_95 : f32 to vector<576xf32>
    %mul3A_97 = arith.mulf %reduce_sum3A_94, %mul3A_96 : vector<576xf32>
    %mul3A_98 = arith.constant 4 : i32
    %mul3A_99 = arith.muli %arg0, %mul3A_98 : i32
    %add3A_100 = arith.constant 1 : i32
    %add3A_101 = arith.addi %mul3A_99, %add3A_100 : i32
    %swap3A_102 = arith.constant 0 : index
    %swap3A_103 = arith.index_cast %add3A_101 : i32 to index
    %swap3A_104 = arith.constant 0 : index
    %swap3A_105 = vector.load %arg4[%swap3A_102, %swap3A_103, %swap3A_104] : memref<2x8x576xf32, #tpu.memory_space<vmem>>, vector<1x1x576xf32>
    %swap3A_106 = vector.shape_cast %swap3A_105 : vector<1x1x576xf32> to vector<576xf32>
    %swap3A_107 = vector.shape_cast %mul3A_97 : vector<576xf32> to vector<1x1x576xf32>
    tpu.vector_store %arg4[%swap3A_102, %swap3A_103, %swap3A_104], %swap3A_107 {strides = array<i32>} : memref<2x8x576xf32, #tpu.memory_space<vmem>>, vector<1x1x576xf32>,
    %mul3A_108 = arith.mulf %sub3A_77, %sub3A_77 : vector<64x576xf32>
    %reduce_sum3A_109 = arith.constant dense<0.000000e+00> : vector<576xf32>
    %reduce_sum3A_110 = vector.multi_reduction <add>, %mul3A_108, %reduce_sum3A_109 [0] : vector<64x576xf32> to vector<576xf32>
    %mul3A_111 = arith.constant 0.01953125 : f32
    %mul3A_112 = vector.broadcast %mul3A_111 : f32 to vector<576xf32>
    %mul3A_113 = arith.mulf %reduce_sum3A_110, %mul3A_112 : vector<576xf32>
    %mul3A_114 = arith.constant 4 : i32
    %mul3A_115 = arith.muli %arg0, %mul3A_114 : i32
    %add3A_116 = arith.constant 1 : i32
    %add3A_117 = arith.addi %mul3A_115, %add3A_116 : i32
    %swap3A_118 = arith.constant 1 : index
    %swap3A_119 = arith.index_cast %add3A_117 : i32 to index
    %swap3A_120 = arith.constant 0 : index
    %swap3A_121 = vector.load %arg4[%swap3A_118, %swap3A_119, %swap3A_120] : memref<2x8x576xf32, #tpu.memory_space<vmem>>, vector<1x1x576xf32>
    %swap3A_122 = vector.shape_cast %swap3A_121 : vector<1x1x576xf32> to vector<576xf32>
    %swap3A_123 = vector.shape_cast %mul3A_113 : vector<576xf32> to vector<1x1x576xf32>
    tpu.vector_store %arg4[%swap3A_118, %swap3A_119, %swap3A_120], %swap3A_123 {strides = array<i32>} : memref<2x8x576xf32, #tpu.memory_space<vmem>>, vector<1x1x576xf32>,
    %get3A_124 = arith.constant 1152 : index
    %get3A_125 = arith.constant 0 : index
    %get3A_126 = vector.load %arg1[%get3A_124, %get3A_125] : memref<2304x128xf32, #tpu.memory_space<vmem>>, vector<576x128xf32>
    %transpose3A_127 = tpu.transpose %get3A_126, [1, 0] : vector<576x128xf32> -> vector<128x576xf32>
    %slice3A_128 = vector.extract_strided_slice %transpose3A_127 {offsets = [0, 0], sizes = [64, 576], strides = [1, 1]} : vector<128x576xf32> to vector<64x576xf32>
    %slice3A_129 = vector.extract_strided_slice %transpose3A_127 {offsets = [64, 0], sizes = [64, 576], strides = [1, 1]} : vector<128x576xf32> to vector<64x576xf32>
    %get3A_130 = arith.constant 0 : index
    %get3A_131 = arith.constant 2 : index
    %get3A_132 = arith.constant 0 : index
    %get3A_133 = arith.constant 0 : index
    %get3A_134 = vector.load %arg2[%get3A_130, %get3A_131, %get3A_132, %get3A_133] : memref<2x4x64x576xf32, #tpu.memory_space<vmem>>, vector<1x1x64x576xf32>
    %get3A_135 = vector.shape_cast %get3A_134 : vector<1x1x64x576xf32> to vector<64x576xf32>
    %sub3A_136 = arith.subf %slice3A_128, %get3A_135 : vector<64x576xf32>
    %get3A_137 = arith.constant 1 : index
    %get3A_138 = arith.constant 2 : index
    %get3A_139 = arith.constant 0 : index
    %get3A_140 = arith.constant 0 : index
    %get3A_141 = vector.load %arg2[%get3A_137, %get3A_138, %get3A_139, %get3A_140] : memref<2x4x64x576xf32, #tpu.memory_space<vmem>>, vector<1x1x64x576xf32>
    %get3A_142 = vector.shape_cast %get3A_141 : vector<1x1x64x576xf32> to vector<64x576xf32>
    %sub3A_143 = arith.subf %slice3A_129, %get3A_142 : vector<64x576xf32>
    %swap3A_144 = arith.constant 0 : index
    %swap3A_145 = arith.constant 2 : index
    %swap3A_146 = arith.constant 0 : index
    %swap3A_147 = arith.constant 0 : index
    %swap3A_148 = vector.load %arg3[%swap3A_144, %swap3A_145, %swap3A_146, %swap3A_147] : memref<2x4x64x576xf32, #tpu.memory_space<vmem>>, vector<1x1x64x576xf32>
    %swap3A_149 = vector.shape_cast %swap3A_148 : vector<1x1x64x576xf32> to vector<64x576xf32>
    %swap3A_150 = vector.shape_cast %slice3A_128 : vector<64x576xf32> to vector<1x1x64x576xf32>
    tpu.vector_store %arg3[%swap3A_144, %swap3A_145, %swap3A_146, %swap3A_147], %swap3A_150 {strides = array<i32>} : memref<2x4x64x576xf32, #tpu.memory_space<vmem>>, vector<1x1x64x576xf32>,
    %swap3A_151 = arith.constant 1 : index
    %swap3A_152 = arith.constant 2 : index
    %swap3A_153 = arith.constant 0 : index
    %swap3A_154 = arith.constant 0 : index
    %swap3A_155 = vector.load %arg3[%swap3A_151, %swap3A_152, %swap3A_153, %swap3A_154] : memref<2x4x64x576xf32, #tpu.memory_space<vmem>>, vector<1x1x64x576xf32>
    %swap3A_156 = vector.shape_cast %swap3A_155 : vector<1x1x64x576xf32> to vector<64x576xf32>
    %swap3A_157 = vector.shape_cast %slice3A_129 : vector<64x576xf32> to vector<1x1x64x576xf32>
    tpu.vector_store %arg3[%swap3A_151, %swap3A_152, %swap3A_153, %swap3A_154], %swap3A_157 {strides = array<i32>} : memref<2x4x64x576xf32, #tpu.memory_space<vmem>>, vector<1x1x64x576xf32>,
    %mul3A_158 = arith.mulf %sub3A_136, %sub3A_136 : vector<64x576xf32>
    %reduce_sum3A_159 = arith.constant dense<0.000000e+00> : vector<576xf32>
    %reduce_sum3A_160 = vector.multi_reduction <add>, %mul3A_158, %reduce_sum3A_159 [0] : vector<64x576xf32> to vector<576xf32>
    %mul3A_161 = arith.constant 0.01953125 : f32
    %mul3A_162 = vector.broadcast %mul3A_161 : f32 to vector<576xf32>
    %mul3A_163 = arith.mulf %reduce_sum3A_160, %mul3A_162 : vector<576xf32>
    %mul3A_164 = arith.constant 4 : i32
    %mul3A_165 = arith.muli %arg0, %mul3A_164 : i32
    %add3A_166 = arith.constant 2 : i32
    %add3A_167 = arith.addi %mul3A_165, %add3A_166 : i32
    %swap3A_168 = arith.constant 0 : index
    %swap3A_169 = arith.index_cast %add3A_167 : i32 to index
    %swap3A_170 = arith.constant 0 : index
    %swap3A_171 = vector.load %arg4[%swap3A_168, %swap3A_169, %swap3A_170] : memref<2x8x576xf32, #tpu.memory_space<vmem>>, vector<1x1x576xf32>
    %swap3A_172 = vector.shape_cast %swap3A_171 : vector<1x1x576xf32> to vector<576xf32>
    %swap3A_173 = vector.shape_cast %mul3A_163 : vector<576xf32> to vector<1x1x576xf32>
    tpu.vector_store %arg4[%swap3A_168, %swap3A_169, %swap3A_170], %swap3A_173 {strides = array<i32>} : memref<2x8x576xf32, #tpu.memory_space<vmem>>, vector<1x1x576xf32>,
    %mul3A_174 = arith.mulf %sub3A_143, %sub3A_143 : vector<64x576xf32>
    %reduce_sum3A_175 = arith.constant dense<0.000000e+00> : vector<576xf32>
    %reduce_sum3A_176 = vector.multi_reduction <add>, %mul3A_174, %reduce_sum3A_175 [0] : vector<64x576xf32> to vector<576xf32>
    %mul3A_177 = arith.constant 0.01953125 : f32
    %mul3A_178 = vector.broadcast %mul3A_177 : f32 to vector<576xf32>
    %mul3A_179 = arith.mulf %reduce_sum3A_176, %mul3A_178 : vector<576xf32>
    %mul3A_180 = arith.constant 4 : i32
    %mul3A_181 = arith.muli %arg0, %mul3A_180 : i32
    %add3A_182 = arith.constant 2 : i32
    %add3A_183 = arith.addi %mul3A_181, %add3A_182 : i32
    %swap3A_184 = arith.constant 1 : index
    %swap3A_185 = arith.index_cast %add3A_183 : i32 to index
    %swap3A_186 = arith.constant 0 : index
    %swap3A_187 = vector.load %arg4[%swap3A_184, %swap3A_185, %swap3A_186] : memref<2x8x576xf32, #tpu.memory_space<vmem>>, vector<1x1x576xf32>
    %swap3A_188 = vector.shape_cast %swap3A_187 : vector<1x1x576xf32> to vector<576xf32>
    %swap3A_189 = vector.shape_cast %mul3A_179 : vector<576xf32> to vector<1x1x576xf32>
    tpu.vector_store %arg4[%swap3A_184, %swap3A_185, %swap3A_186], %swap3A_189 {strides = array<i32>} : memref<2x8x576xf32, #tpu.memory_space<vmem>>, vector<1x1x576xf32>,
    %get3A_190 = arith.constant 1728 : index
    %get3A_191 = arith.constant 0 : index
    %get3A_192 = vector.load %arg1[%get3A_190, %get3A_191] : memref<2304x128xf32, #tpu.memory_space<vmem>>, vector<576x128xf32>
    %transpose3A_193 = tpu.transpose %get3A_192, [1, 0] : vector<576x128xf32> -> vector<128x576xf32>
    %slice3A_194 = vector.extract_strided_slice %transpose3A_193 {offsets = [0, 0], sizes = [64, 576], strides = [1, 1]} : vector<128x576xf32> to vector<64x576xf32>
    %slice3A_195 = vector.extract_strided_slice %transpose3A_193 {offsets = [64, 0], sizes = [64, 576], strides = [1, 1]} : vector<128x576xf32> to vector<64x576xf32>
    %get3A_196 = arith.constant 0 : index
    %get3A_197 = arith.constant 3 : index
    %get3A_198 = arith.constant 0 : index
    %get3A_199 = arith.constant 0 : index
    %get3A_200 = vector.load %arg2[%get3A_196, %get3A_197, %get3A_198, %get3A_199] : memref<2x4x64x576xf32, #tpu.memory_space<vmem>>, vector<1x1x64x576xf32>
    %get3A_201 = vector.shape_cast %get3A_200 : vector<1x1x64x576xf32> to vector<64x576xf32>
    %sub3A_202 = arith.subf %slice3A_194, %get3A_201 : vector<64x576xf32>
    %get3A_203 = arith.constant 1 : index
    %get3A_204 = arith.constant 3 : index
    %get3A_205 = arith.constant 0 : index
    %get3A_206 = arith.constant 0 : index
    %get3A_207 = vector.load %arg2[%get3A_203, %get3A_204, %get3A_205, %get3A_206] : memref<2x4x64x576xf32, #tpu.memory_space<vmem>>, vector<1x1x64x576xf32>
    %get3A_208 = vector.shape_cast %get3A_207 : vector<1x1x64x576xf32> to vector<64x576xf32>
    %sub3A_209 = arith.subf %slice3A_195, %get3A_208 : vector<64x576xf32>
    %swap3A_210 = arith.constant 0 : index
    %swap3A_211 = arith.constant 3 : index
    %swap3A_212 = arith.constant 0 : index
    %swap3A_213 = arith.constant 0 : index
    %swap3A_214 = vector.load %arg3[%swap3A_210, %swap3A_211, %swap3A_212, %swap3A_213] : memref<2x4x64x576xf32, #tpu.memory_space<vmem>>, vector<1x1x64x576xf32>
    %swap3A_215 = vector.shape_cast %swap3A_214 : vector<1x1x64x576xf32> to vector<64x576xf32>
    %swap3A_216 = vector.shape_cast %slice3A_194 : vector<64x576xf32> to vector<1x1x64x576xf32>
    tpu.vector_store %arg3[%swap3A_210, %swap3A_211, %swap3A_212, %swap3A_213], %swap3A_216 {strides = array<i32>} : memref<2x4x64x576xf32, #tpu.memory_space<vmem>>, vector<1x1x64x576xf32>,
    %swap3A_217 = arith.constant 1 : index
    %swap3A_218 = arith.constant 3 : index
    %swap3A_219 = arith.constant 0 : index
    %swap3A_220 = arith.constant 0 : index
    %swap3A_221 = vector.load %arg3[%swap3A_217, %swap3A_218, %swap3A_219, %swap3A_220] : memref<2x4x64x576xf32, #tpu.memory_space<vmem>>, vector<1x1x64x576xf32>
    %swap3A_222 = vector.shape_cast %swap3A_221 : vector<1x1x64x576xf32> to vector<64x576xf32>
    %swap3A_223 = vector.shape_cast %slice3A_195 : vector<64x576xf32> to vector<1x1x64x576xf32>
    tpu.vector_store %arg3[%swap3A_217, %swap3A_218, %swap3A_219, %swap3A_220], %swap3A_223 {strides = array<i32>} : memref<2x4x64x576xf32, #tpu.memory_space<vmem>>, vector<1x1x64x576xf32>,
    %mul3A_224 = arith.mulf %sub3A_202, %sub3A_202 : vector<64x576xf32>
    %reduce_sum3A_225 = arith.constant dense<0.000000e+00> : vector<576xf32>
    %reduce_sum3A_226 = vector.multi_reduction <add>, %mul3A_224, %reduce_sum3A_225 [0] : vector<64x576xf32> to vector<576xf32>
    %mul3A_227 = arith.constant 0.01953125 : f32
    %mul3A_228 = vector.broadcast %mul3A_227 : f32 to vector<576xf32>
    %mul3A_229 = arith.mulf %reduce_sum3A_226, %mul3A_228 : vector<576xf32>
    %mul3A_230 = arith.constant 4 : i32
    %mul3A_231 = arith.muli %arg0, %mul3A_230 : i32
    %add3A_232 = arith.constant 3 : i32
    %add3A_233 = arith.addi %mul3A_231, %add3A_232 : i32
    %swap3A_234 = arith.constant 0 : index
    %swap3A_235 = arith.index_cast %add3A_233 : i32 to index
    %swap3A_236 = arith.constant 0 : index
    %swap3A_237 = vector.load %arg4[%swap3A_234, %swap3A_235, %swap3A_236] : memref<2x8x576xf32, #tpu.memory_space<vmem>>, vector<1x1x576xf32>
    %swap3A_238 = vector.shape_cast %swap3A_237 : vector<1x1x576xf32> to vector<576xf32>
    %swap3A_239 = vector.shape_cast %mul3A_229 : vector<576xf32> to vector<1x1x576xf32>
    tpu.vector_store %arg4[%swap3A_234, %swap3A_235, %swap3A_236], %swap3A_239 {strides = array<i32>} : memref<2x8x576xf32, #tpu.memory_space<vmem>>, vector<1x1x576xf32>,
    %mul3A_240 = arith.mulf %sub3A_209, %sub3A_209 : vector<64x576xf32>
    %reduce_sum3A_241 = arith.constant dense<0.000000e+00> : vector<576xf32>
    %reduce_sum3A_242 = vector.multi_reduction <add>, %mul3A_240, %reduce_sum3A_241 [0] : vector<64x576xf32> to vector<576xf32>
    %mul3A_243 = arith.constant 0.01953125 : f32
    %mul3A_244 = vector.broadcast %mul3A_243 : f32 to vector<576xf32>
    %mul3A_245 = arith.mulf %reduce_sum3A_242, %mul3A_244 : vector<576xf32>
    %mul3A_246 = arith.constant 4 : i32
    %mul3A_247 = arith.muli %arg0, %mul3A_246 : i32
    %add3A_248 = arith.constant 3 : i32
    %add3A_249 = arith.addi %mul3A_247, %add3A_248 : i32
    %swap3A_250 = arith.constant 1 : index
    %swap3A_251 = arith.index_cast %add3A_249 : i32 to index
    %swap3A_252 = arith.constant 0 : index
    %swap3A_253 = vector.load %arg4[%swap3A_250, %swap3A_251, %swap3A_252] : memref<2x8x576xf32, #tpu.memory_space<vmem>>, vector<1x1x576xf32>
    %swap3A_254 = vector.shape_cast %swap3A_253 : vector<1x1x576xf32> to vector<576xf32>
    %swap3A_255 = vector.shape_cast %mul3A_245 : vector<576xf32> to vector<1x1x576xf32>
    tpu.vector_store %arg4[%swap3A_250, %swap3A_251, %swap3A_252], %swap3A_255 {strides = array<i32>} : memref<2x8x576xf32, #tpu.memory_space<vmem>>, vector<1x1x576xf32>,
    return
  }
  func.func @transform_0(%arg0: i32) -> (i32, i32) {
    %c0_i32 = arith.constant 0 : i32
    %c0_i32_0 = arith.constant 0 : i32
    return %arg0, %c0_i32 : i32, i32
  }
  func.func @transform_1(%arg0: i32) -> (i32, i32, i32, i32) {
    %c0_i32 = arith.constant 0 : i32
    %c0_i32_0 = arith.constant 0 : i32
    %c0_i32_1 = arith.constant 0 : i32
    %c0_i32_2 = arith.constant 0 : i32
    return %c0_i32, %arg0, %c0_i32_0, %c0_i32_1 : i32, i32, i32, i32
  }
  func.func @transform_2(%arg0: i32) -> (i32, i32, i32, i32) {
    %c0_i32 = arith.constant 0 : i32
    %c0_i32_0 = arith.constant 0 : i32
    %c0_i32_1 = arith.constant 0 : i32
    %c0_i32_2 = arith.constant 0 : i32
    return %c0_i32, %arg0, %c0_i32_0, %c0_i32_1 : i32, i32, i32, i32
  }
  func.func @transform_3(%arg0: i32) -> (i32, i32, i32) {
    %c0_i32 = arith.constant 0 : i32
    %c0_i32_0 = arith.constant 0 : i32
    %c0_i32_1 = arith.constant 0 : i32
    %c0_i32_2 = arith.constant 0 : i32
    return %c0_i32, %c0_i32_0, %c0_i32_1 : i32, i32, i32
  }
}

</mosaic_0001>

<sc_bundles>
// kernel: kernel.4.cloned.1.call-start
scs
__scs_entry_jumppad:
0x0: {  	(pc) =	sbr.rel $0x88, $3  }
0x1: {  	(tag) =	ssettag $0x0;
	lr =	simm.s32 $0x1  }
0x2: {  	[smem:$0x3F9E] =	sst lr;
	_ =	strace $0xD0000000  }
0x3: {  	_ = 	snop  }
0x4: {  	_ = 	snop  }
0x5: {  	_ = 	snop  }
0x6: {  	_ = 	snop  }
0x7: {  	_ = 	snop  }
__scs_overlays_trampoline_lowered:
0x8: {  	[smem:$0x3FAD] =	sst s0  }
0x9: {  	[smem:$0x3FAE] =	sst s1  }
0xa: {  	[smem:$0x3FAF] =	sst s2  }
0xb: {  	[smem:$0x3FB0] =	sst s3  }
0xc: {  	[smem:$0x3FB1] =	sst s4  }
0xd: {  	[smem:$0x3FB2] =	sst s5  }
0xe: {  	[smem:$0x3FB3] =	sst s6  }
0xf: {  	[smem:$0x3FB4] =	sst s7  }
0x10: {  	[smem:$0x3FB5] =	sst s8  }
0x11: {  	[smem:$0x3FB6] =	sst s9;
	s0 =	simm.s32 @!p0 $0x0  }
0x12: {  	s1 =	sld [smem:$0x3F9C];
	s0 =	simm.s32 @p0 $0x1  }
0x13: {  	[smem:$0x3FB7] =	sst s0;
	s0 =	simm.s32 @!p1 $0x0  }
0x14: {  	s2 =	sld [smem:$0x3F9B];
	s0 =	simm.s32 @p1 $0x1  }
0x15: {  	[smem:$0x3FB8] =	sst s0;
	s0 =	simm.s32 @!p2 $0x0  }
0x16: {  	s3 =	sld [smem:$0x3FDB];
	s0 =	simm.s32 @p2 $0x1  }
0x17: {  	s4 =	simm.s32 $0x1BF5;
	[smem:$0x3FBA] =	sst s0  }
0x18: {  	s0 =	sld [smem:$0x3F9D];
	_ =	swait.ge [sflag:s4], $0x0  }
0x19: {  	s7 =	sld [smem:$0x3F9E]  }
0x1a: {  	s8 =	sadd.s32 $0xFFFFE003, lr  }
0x1b: {  	s9 =	sadd.s32 $0xFFFFFEF7, lr;
	s5 =	simm.s32 $0xFFFFFFFF;
	p2 =	slt.u32 s8, $0xFFFFF086  }
0x1c: {  	p1 =	slt.u32 s9, $0xF7A;
	s5 =	simm.s32 @!p2 $0x0  }
0x1d: {  	s5 =	simm.s32 @p1 $0x1;
	p0 =	seq.s32 s7, s2  }
0x1e: {  	s7 =	smul.u32 @!p0 $0xF7A, s2;
	p2 =	seq.s32 @!p0 s5, $0x0  }
0x1f: {  	s9 =	smul.u32 $0xF7A, s1;
	s8 =	simm.s32 @!p0 $0x1BF5;
	p2 =	por !p2, p0  }
0x20: {  	[sflag:s8] =	ssyncset.s32 @!p0 $0xFFFFF086;
	s6 =	sadd.s32 @!p0 s3, s7;
	s7 =	simm.s32 @!p0 $0x108  }
0x21: {  	s3 =	sadd.s32 s3, s9;
	s6 =	sadd.s32 @!p0 $0x88, s6;
	s7 =	simm.s32 @p2 $0x1082  }
0x22: {  	[simem:s7], [sflag:s8] =	dma.local @!p0 [hbm:s6], $0xF7A  }
0x23: {  	s9 =	sor.u32 $0xD0000000, s2;
	s6 =	simm.s32 $0x108;
	_ =	swait.ge @!p0 [sflag:s8], $0x0  }
0x24: {  	s3 =	sadd.s32 $0x88, s3;
	s6 =	simm.s32 @!p1 $0x1082;
	[sflag:s4] =	ssyncset.s32 $0xFFFFF086  }
0x25: {  	[simem:s6], [sflag:s4] =	dma.local [hbm:s3], $0xF7A  }
0x26: {  	[smem:$0x3F9E] =	sst s1;
	(tag) =	ssettag s2;
	_ =	strace s9  }
0x27: {  	s1 =	sld [smem:$0x3FAE]  }
0x28: {  	s2 =	sld [smem:$0x3FAF]  }
0x29: {  	s4 =	sld [smem:$0x3FB1]  }
0x2a: {  	p0 =	seq.s32 s5, $0x0;
	s5 =	sld [smem:$0x3FB2]  }
0x2b: {  	s6 =	sld [smem:$0x3FB3]  }
0x2c: {  	s7 =	sld [smem:$0x3FB4]  }
0x2d: {  	s3 =	simm.s32 $0x108;
	s8 =	sld [smem:$0x3FB5]  }
0x2e: {  	s3 =	simm.s32 @!p0 $0x1082;
	s9 =	sld [smem:$0x3FB6]  }
0x2f: {  	lr =	sadd.s32 s0, s3;
	s0 =	sld [smem:$0x3FAD]  }
0x30: {  	s3 =	sld [smem:$0x3FB0]  }
0x31: {  	[smem:$0x3FB9] =	sst s10  }
0x32: {  	s10 =	sld [smem:$0x3FB7];
	_ =	sdelay $0x3  }
0x33: {  	p0 =	seq.s32 s10, $0x1;
	s10 =	sld [smem:$0x3FB9];
	_ =	sdelay $0x3  }
0x34: {  	[smem:$0x3FB9] =	sst s10  }
0x35: {  	s10 =	sld [smem:$0x3FB8];
	_ =	sdelay $0x3  }
0x36: {  	p1 =	seq.s32 s10, $0x1;
	s10 =	sld [smem:$0x3FB9];
	_ =	sdelay $0x3  }
0x37: {  	[smem:$0x3FB9] =	sst s10  }
0x38: {  	s10 =	sld [smem:$0x3FBA]  }
0x39: {  	_ = 	snop;
	(pc) =	sbr.ind lr, $3  }
0x3a: {  	_ = 	snop  }
0x3b: {  	_ = 	snop  }
0x3c: {  	p2 =	seq.s32 s10, $0x1;
	s10 =	sld [smem:$0x3FB9]  }
0x3d: {  	_ =	shalt  }
0x3e: {  	_ =	shalt  }
0x3f: {  	_ =	shalt  }
0x40: {  	_ =	shalt  }
0x41: {  	_ =	shalt  }
0x42: {  	_ =	shalt  }
0x43: {  	_ =	shalt  }
0x44: {  	_ =	shalt  }
0x45: {  	_ =	shalt  }
0x46: {  	_ =	shalt  }
0x47: {  	_ =	shalt  }
0x48: {  	_ =	shalt  }
0x49: {  	_ =	shalt  }
0x4a: {  	_ =	shalt  }
0x4b: {  	_ =	shalt  }
0x4c: {  	_ =	shalt  }
0x4d: {  	_ =	shalt  }
0x4e: {  	_ =	shalt  }
0x4f: {  	_ =	shalt  }
0x50: {  	_ =	shalt  }
0x51: {  	_ =	shalt  }
0x52: {  	_ =	shalt  }
0x53: {  	_ =	shalt  }
0x54: {  	_ =	shalt  }
0x55: {  	_ =	shalt  }
0x56: {  	_ =	shalt  }
0x57: {  	_ =	shalt  }
0x58: {  	_ =	shalt  }
0x59: {  	_ =	shalt  }
0x5a: {  	_ =	shalt  }
0x5b: {  	_ =	shalt  }
0x5c: {  	_ =	shalt  }
0x5d: {  	_ =	shalt  }
0x5e: {  	_ =	shalt  }
0x5f: {  	_ =	shalt  }
0x60: {  	_ =	shalt  }
0x61: {  	_ =	shalt  }
0x62: {  	_ =	shalt  }
0x63: {  	_ =	shalt  }
0x64: {  	_ =	shalt  }
0x65: {  	_ =	shalt  }
0x66: {  	_ =	shalt  }
0x67: {  	_ =	shalt  }
0x68: {  	_ =	shalt  }
0x69: {  	_ =	shalt  }
0x6a: {  	_ =	shalt  }
0x6b: {  	_ =	shalt  }
0x6c: {  	_ =	shalt  }
0x6d: {  	_ =	shalt  }
0x6e: {  	_ =	shalt  }
0x6f: {  	_ =	shalt  }
0x70: {  	_ =	shalt  }
0x71: {  	_ =	shalt  }
0x72: {  	_ =	shalt  }
0x73: {  	_ =	shalt  }
0x74: {  	_ =	shalt  }
0x75: {  	_ =	shalt  }
0x76: {  	_ =	shalt  }
0x77: {  	_ =	shalt  }
0x78: {  	_ =	shalt  }
0x79: {  	_ =	shalt  }
0x7a: {  	_ =	shalt  }
0x7b: {  	_ =	shalt  }
0x7c: {  	_ =	shalt  }
0x7d: {  	_ =	shalt  }
0x7e: {  	_ =	shalt  }
0x7f: {  	_ =	shalt  }
0x80: {  	_ =	shalt  }
0x81: {  	_ =	shalt  }
0x82: {  	_ =	shalt  }
0x83: {  	_ =	shalt  }
0x84: {  	_ =	shalt  }
0x85: {  	_ =	shalt  }
0x86: {  	_ =	shalt  }
0x87: {  	_ =	shalt  }
.Lfunc_end0:
.L_simem_size_0:
called_computation_lowered:
.L_overlay_start_0:
0x88: {  	s2 =	sld [smem:$0x3FD9]  }
0x89: {  	s3 =	sld [smem:$0x3FFE];
	_ =	sdelay $0x1  }
0x8a: {  	s1 =	srdreg.scid  }
0x8b: {  	s0 =	sand.u32 $0x1, s1  }
0x8c: {  	s14 =	sshll.u32 s0, $0xA;
	s2 =	sadd.s32 s3, s2  }
0x8d: {  	s2 =	sadd.s32 s2, s14  }
0x8e: {  	[smem:$0x3FC5] =	sst s2  }
0x8f: {  	_ = 	snop  }
0x90: {  	s2 =	sld [smem:$0x3FD0];
	_ =	sdelay $0x2  }
0x91: {  	s4 =	simm.s32 $0xA;
	s5 =	simm.s32 $0x10;
	s15 =	sld [smem:$0x3FC9]  }
0x92: {  	[smem:s5], [sflag:s4] =	dma.local [hbm:s2], $0x1  }
0x93: {  	_ =	swait.eq [sflag:s4], $0x1  }
0x94: {  	[sflag:s4] =	ssyncset.done $0x0  }
0x95: {  	[sflag:s4] =	ssyncadd.s32 $0xFFFFFFFF  }
0x96: {  	s16 =	sld [smem:$0x10];
	(tm) =	ssettm $0x1  }
0x97: {  	s17 =	sld [smem:$0x3FFB];
	_ =	sdelay $0x3  }
0x98: {  	_ =	strace s17  }
0x99: {  	s4 =	sld [smem:$0x3FFC];
	_ =	sdelay $0x3  }
0x9a: {  	_ =	strace s4  }
0x9b: {  	s4 =	sld [smem:$0x3FFD];
	_ =	sdelay $0x3  }
0x9c: {  	_ =	strace s4  }
0x9d: {  	_ =	strace $0x8FFFFFFF  }
0x9e: {  	s18 =	sld [smem:$0x3FDB];
	_ =	sdelay $0x1  }
0x9f: {  	s19 =	simm.s32 $_scs_section_size  }
0xa0: {  	s6 =	simm.s32 $_size__tile_overlayer_lowered;
	s7 =	simm.s32 $_tile_overlayer_lowered  }
0xa1: {  	s22 =	simm.s32 $0x1BFF;
	s21 =	sshll.u32 s7, $0x1;
	s4 =	sadd.s32 s19, s18  }
0xa2: {  	s8 =	simm.s32 $0x0;
	s20 =	sshll.u32 s6, $0x1;
	s6 =	sadd.s32 s21, s4  }
0xa3: {  	[timem:s8], [sflag:s22] =	dma.local [hbm:s6], s20  }
0xa4: {  	_ =	swait.ge [sflag:s22], s20  }
0xa5: {  	s5 =	ssub.s32 $0x0, s20;
	[sflag:s22] =	ssyncset.done $0x0  }
0xa6: {  	[sflag:s22] =	ssyncadd.s32 s5;
	_ =	sdelay $0x1  }
0xa7: {  	s23 =	simm.s32 $0x1B8B  }
0xa8: {  	_ =	swait.ge [sflag:s23], $0x1  }
0xa9: {  	[sflag:s23] =	ssyncset.done $0x0  }
0xaa: {  	s25 =	simm.s32 $0x1B8E;
	s24 =	sld [smem:$0x3FFE];
	[sflag:s23] =	ssyncadd.s32 $0xFFFFFFFF  }
0xab: {  	s26 =	simm.s32 $execute0_lowered;
	[smem:$0x3FD2] =	sst s25  }
0xac: {  	s6 =	sshll.u32 s26, $0x1;
	_ =	strace $0x80000046;
	[dreg:$0x1] =	wrdreg $0xFFFFFFFF  }
0xad: {  	s28 =	simm.s32 $_size_execute0_lowered;
	s4 =	sadd.s32 s4, s6;
	[dreg:$0x0] =	wrdreg $0x0  }
0xae: {  	s6 =	sshll.u32 s28, $0x1;
	[dreg:$0x2] =	wrdreg s4  }
0xaf: {  	[dreg:$0x3] =	wrdreg s6  }
0xb0: {  	[dreg:$0x4] =	wrdreg $0xC0  }
0xb1: {  	_ =	task [dreg:s8], $0x5FFFF  }
0xb2: {  	[dreg:$0x1] =	wrdreg $0xFFFFFFFF  }
0xb3: {  	[dreg:$0x0] =	wrdreg $0x60  }
0xb4: {  	[dreg:$0x2] =	wrdreg s15  }
0xb5: {  	[dreg:$0x3] =	wrdreg s24  }
0xb6: {  	[dreg:$0x4] =	wrdreg s16  }
0xb7: {  	[dreg:$0x5] =	wrdreg $0x9  }
0xb8: {  	_ =	task.clear_ibuf [dreg:s8], $0x6FFFF;
	_ =	strace $0x90000046  }
0xb9: {  	s29 =	simm.s32 $0x9;
	_ =	strace $0x80000048  }
0xba: {  	_ =	swait.ge [sflag:s29], $0x1  }
0xbb: {  	[sflag:s29] =	ssyncadd.s32 $0xFFFFFFFF  }
0xbc: {  	_ =	strace $0x90000048  }
0xbd: {  	_ =	sfence  }
0xbe: {  	s30 =	sld [smem:$0x0];
	_ =	sdelay $0x2  }
0xbf: {  	s31 =	sshll.u32 s1, $0xD;
	s1 =	sshrl.u32 s1, $0x2  }
0xc0: {  	s3 =	sand.u32 $0x4000, s31;
	s1 =	sadd.s32 s1, s30  }
0xc1: {  	s0 =	sor.u32 s3, s0;
	s1 =	sshll.u32 s1, $0x11  }
0xc2: {  	s0 =	sor.u32 s1, s0  }
0xc3: {  	s0 =	sadd.s32 $0x8F2B, s0  }
0xc4: {  	[sflag:s0] =	ssyncadd.remote.s32 $0x1  }
0xc5: {  	_ =	sfence.sel $0xFFFF  }
0xc6: {  	[dreg:$0x0] =	wrdreg $0xFFFFFFFF;
	(pc) =	sbr.abs _section_cstart, $3  }
0xc7: {  	[dreg:$0x1] =	wrdreg $0xFFFFFFFF  }
0xc8: {  	_ =	task.clear_ibuf [dreg:s8], $0x2FFFF;
	_ =	strace $0x9FFFFFFF  }
0xc9: {  	(tm) =	ssettm $0x7FFFFFFF  }
tec
execute0_lowered:
.L_overlay_start_1:
0x0: {  	(tag) =	ssettag $0x1  }
0x1: {  	s3 =	rddreg [dreg:$0x0]  }
0x2: {  	s1 =	srdreg.scid;
	s0 =	stileid.u32  }
0x3: {  	s5 =	rddreg [dreg:$0x1];
	s18 =	sand.u32 $0x1, s1;
	s30 =	sshll.u32 s0, $0x1  }
0x4: {  	s16 =	rddreg [dreg:$0x2];
	s4 =	sor.u32 s18, s30  }
0x5: {  	s2 =	simm.s32 $0x0;
	s1 =	rddreg [dreg:$0x3];
	s6 =	smul.u32 $0x120, s4  }
0x6: {  	[smem:$0x7FF] =	sst s2  }
0x7: {  	s7 =	sshrl.u32 s0, $0x3;
	_ =	strace $0x80000047;
	s4 =	sshrl.u32 s6, $0x3  }
0x8: {  	s8 =	smul.u32 $0xFFFFEE00, s7;
	s3 =	sadd.s32 s3, s4;
	s4 =	simm.s32 $0x3  }
0x9: {  	[tilespmem:s2], [sflag:$0x3] =	stream.linear.gather [hbm4b:s3+s2], $0x120, $0x38;
	[tilespmem:$0x4920] =	vst v63  }
0xa: {  	s5 =	sadd.s32 $0xC00, s5;
	s31 =	sshll.u32 s7, $0x6;
	_ =	swait.ge [sflag:s4], $0x120  }
0xb: {  	s7 =	simm.s32 $0x120;
	s6 =	sadd.s32 s8, s6;
	[sflag:s4] =	ssyncset.done $0x0  }
0xc: {  	s9 =	sshll.u32 s6, $0x7;
	s6 =	simm.s32 $0x60;
	[sflag:s4] =	ssyncadd.s32 $0xFFFFFEE0  }
0xd: {  	[tilespmem:s7], [sflag:$0x1] =	stream.indirect.gather [hbm4b:s5+s6], $0x40, s2, s6, $0xb8;
	[tilespmem:$0x4920] =	vst v63  }
0xe: {  	s10 =	simm.s32 $0x3120;
	s8 =	simm.s32 $0x1920  }
0xf: {  	[tilespmem:s8], [sflag:$0x1] =	stream.indirect.gather [hbm4b:s5+s6], $0x40, s6, s6, $0xb8;
	[tilespmem:$0x4920] =	vst v63  }
0x10: {  	s11 =	simm.s32 $0x1;
	s17 =	sor.u32 s31, s9;
	s9 =	simm.s32 $0xC0  }
0x11: {  	[tilespmem:s10], [sflag:$0x1] =	stream.indirect.gather [hbm4b:s5+s6], $0x40, s9, s6, $0xb8;
	[tilespmem:$0x4920] =	vst v63  }
0x12: {  	_ =	swait.ge [sflag:s11], $0x1800  }
0x13: {  	s13 =	simm.s32 $0x40;
	s12 =	sshrl.u32 s17, $0x3;
	[sflag:s11] =	ssyncset.done $0x0  }
0x14: {  	s14 =	simm.s32 $0x80;
	s12 =	sadd.s32 s16, s12;
	[sflag:s11] =	ssyncadd.s32 $0xFFFFE800  }
0x15: {  	[hbm4b:s12+s13] =	stream.strided.scatter [tilespmem:s7], [sflag:$0x2], $0x1800, s14, s13, $0x38;
	[tilespmem:$0x4920] =	vst v63  }
0x16: {  	s15 =	sadd.s32 $0x3000, s17;
	_ =	swait.ge [sflag:s11], $0x1800  }
0x17: {  	s15 =	sshrl.u32 s15, $0x3;
	[sflag:s11] =	ssyncset.done $0x0  }
0x18: {  	s15 =	sadd.s32 s16, s15;
	[sflag:s11] =	ssyncadd.s32 $0xFFFFE800  }
0x19: {  	[hbm4b:s15+s13] =	stream.strided.scatter [tilespmem:s8], [sflag:$0x2], $0x1800, s14, s13, $0x38;
	[tilespmem:$0x4920] =	vst v63  }
0x1a: {  	s18 =	ssub.s32 $0x2, s18;
	s17 =	sadd.s32 $0x6000, s17;
	_ =	swait.ge [sflag:s11], $0x1800  }
0x1b: {  	s19 =	sshrl.u32 s18, $0x1;
	s17 =	sshrl.u32 s17, $0x3;
	[sflag:s11] =	ssyncset.done $0x0  }
0x1c: {  	s17 =	sadd.s32 s16, s17;
	s16 =	simm.s32 $0x2;
	[sflag:s11] =	ssyncadd.s32 $0xFFFFE800  }
0x1d: {  	[hbm4b:s17+s13] =	stream.strided.scatter [tilespmem:s10], [sflag:$0x2], $0x1800, s14, s13, $0x38;
	[tilespmem:$0x4920] =	vst v63  }
0x1e: {  	s18 =	ssub.s32 s18, s19;
	_ =	swait.ge [sflag:s16], $0x1800  }
0x1f: {  	s18 =	smax.u32 s18, $0x1;
	[sflag:s16] =	ssyncset.done $0x0  }
0x20: {  	p0 =	sne.s32 s18, $0x1;
	[sflag:s16] =	ssyncadd.s32 $0xFFFFE800  }
.Ltmp0:
0x21: {  	_ =	swait.ge [sflag:s16], $0x1800;
	(pc) =	sbr.rel @!p0 .LBB2_2-.Ltmp0, $4  }
0x22: {  	[sflag:s16] =	ssyncset.done $0x0  }
0x23: {  	[sflag:s16] =	ssyncadd.s32 $0xFFFFE800  }
0x24: {  	_ =	swait.ge [sflag:s16], $0x1800  }
0x25: {  	s18 =	sadd.s32 $0xFFFFFFFF, s18;
	[sflag:s16] =	ssyncset.done $0x0  }
.LBB2_1:
0x26: {  	p0 =	sne.s32 s18, $0x1;
	s18 =	sadd.s32 $0xFFFFFFFF, s18;
	[sflag:s16] =	ssyncadd.s32 $0xFFFFE800  }
0x27: {  	[tilespmem:s2], [sflag:$0x3] =	stream.linear.gather [hbm4b:s3+s2], $0x120, $0x38;
	[tilespmem:$0x4920] =	vst v63  }
0x28: {  	_ =	swait.ge [sflag:s4], $0x120  }
0x29: {  	[sflag:s4] =	ssyncset.done $0x0  }
0x2a: {  	[sflag:s4] =	ssyncadd.s32 $0xFFFFFEE0  }
0x2b: {  	[tilespmem:s7], [sflag:$0x1] =	stream.indirect.gather [hbm4b:s5+s6], $0x40, s2, s6, $0xb8;
	[tilespmem:$0x4920] =	vst v63  }
0x2c: {  	_ = 	snop  }
0x2d: {  	[tilespmem:s8], [sflag:$0x1] =	stream.indirect.gather [hbm4b:s5+s6], $0x40, s6, s6, $0xb8;
	[tilespmem:$0x4920] =	vst v63  }
0x2e: {  	_ = 	snop  }
0x2f: {  	[tilespmem:s10], [sflag:$0x1] =	stream.indirect.gather [hbm4b:s5+s6], $0x40, s9, s6, $0xb8;
	[tilespmem:$0x4920] =	vst v63  }
0x30: {  	_ =	swait.ge [sflag:s11], $0x1800  }
0x31: {  	[sflag:s11] =	ssyncset.done $0x0  }
0x32: {  	[sflag:s11] =	ssyncadd.s32 $0xFFFFE800  }
0x33: {  	[hbm4b:s12+s13] =	stream.strided.scatter [tilespmem:s7], [sflag:$0x2], $0x1800, s14, s13, $0x38;
	[tilespmem:$0x4920] =	vst v63  }
0x34: {  	_ =	swait.ge [sflag:s11], $0x1800  }
0x35: {  	[sflag:s11] =	ssyncset.done $0x0  }
0x36: {  	[sflag:s11] =	ssyncadd.s32 $0xFFFFE800  }
0x37: {  	[hbm4b:s15+s13] =	stream.strided.scatter [tilespmem:s8], [sflag:$0x2], $0x1800, s14, s13, $0x38;
	[tilespmem:$0x4920] =	vst v63  }
0x38: {  	_ =	swait.ge [sflag:s11], $0x1800  }
0x39: {  	[sflag:s11] =	ssyncset.done $0x0  }
0x3a: {  	[sflag:s11] =	ssyncadd.s32 $0xFFFFE800  }
0x3b: {  	[hbm4b:s17+s13] =	stream.strided.scatter [tilespmem:s10], [sflag:$0x2], $0x1800, s14, s13, $0x38;
	[tilespmem:$0x4920] =	vst v63  }
0x3c: {  	_ =	swait.ge [sflag:s16], $0x1800  }
0x3d: {  	[sflag:s16] =	ssyncset.done $0x0  }
0x3e: {  	[sflag:s16] =	ssyncadd.s32 $0xFFFFE800  }
.Ltmp1:
0x3f: {  	_ =	swait.ge [sflag:s16], $0x1800;
	(pc) =	sbr.rel @p0 .LBB2_1-.Ltmp1, $4  }
0x40: {  	[sflag:s16] =	ssyncset.done $0x0  }
0x41: {  	[sflag:s16] =	ssyncadd.s32 $0xFFFFE800  }
0x42: {  	_ =	swait.ge [sflag:s16], $0x1800  }
0x43: {  	[sflag:s16] =	ssyncset.done $0x0  }
.LBB2_2:
0x44: {  	[sflag:s16] =	ssyncadd.s32 $0xFFFFE800  }
0x45: {  	_ =	sfence.sel $0x180000  }
0x46: {  	[bflag:$0x0] =	sbarrier.arrive $0xFFFF  }
0x47: {  	p0 =	sne.s32 s0, $0x0;
	_ =	strace $0x90000047  }
0x48: {  	s0 =	sadd.s32 @!p0 $0x100000, s1;
	[bflag:$0x2] =	sbarrier.arrive $0xFFFF  }
0x49: {  	[sflag:s0] =	ssyncadd.tile.s32 @!p0 $0x1;
	_ =	shalt  }
.Lfunc_end2:
_tile_overlayer_lowered:
.L_overlay_start_2:
0x4a: {  	(tag) =	ssettag $0x2  }
0x4b: {  	s0 =	rddreg [dreg:$0x0];
	s2 =	stileid.u32  }
0x4c: {  	s1 =	rddreg [dreg:$0x1];
	p0 =	sne.s32 s2, $0x0  }
0x4d: {  	s3 =	rddreg [dreg:$0x2];
	[bflag:$0x3] =	sbarrier.arrive $0xFFFF;
	s2 =	simm.s32 @!p0 $0x1C03  }
0x4e: {  	[timem:s3], [sflag:s2] =	dma.local @!p0 [hbm:s0], s1  }
0x4f: {  	s0 =	simm.s32 @!p0 $0x3  }
0x50: {  	_ =	swait.ge @!p0 [sflag:s0], s1  }
0x51: {  	s1 =	ssub.s32 @!p0 $0x0, s1;
	[sflag:s0] =	ssyncset.done @!p0 $0x0  }
0x52: {  	[sflag:s0] =	ssyncadd.s32 @!p0 s1  }
0x53: {  	[bflag:$0x3] =	sbarrier.arrive $0xFFFF  }
0x54: {  	_ =	shalt  }

</sc_bundles>
